<compile_context>
chip_gen: v7x
topology: tpu7x:2x2x1
jax: 0.10.2.dev20260603
libtpu: 0.0.44.dev20260713+nightly
codegen_flags: <defaults>
</compile_context>

<pallas_src>
import jax
import jax.numpy as jnp
from jax import lax
from jax.experimental import pallas as pl
from jax.experimental.pallas import tpu as pltpu
from jax.experimental.pallas import tpu_sc as plsc

B = 16384
VOCAB = 1000
EMB = 128

NUM_CORES = 2
NUM_SUBCORES = 16
LANES = 16
NUM_WORKERS = NUM_CORES * NUM_SUBCORES
B_PER_W = B // NUM_WORKERS
CHUNK = 128
N_CHUNKS = B_PER_W // CHUNK


def _sc_body(table_hbm, tok_hbm, out_hbm, idx_v, rows_v, sem):
    wid = lax.axis_index("s") * NUM_CORES + lax.axis_index("c")
    base = wid * B_PER_W

    pltpu.sync_copy(tok_hbm.at[pl.ds(base, B_PER_W)], idx_v)

    def remap(i, carry):
        t = idx_v[pl.ds(i * LANES, LANES)]
        ok = (t >= 0) & (t < VOCAB)
        idx_v[pl.ds(i * LANES, LANES)] = jnp.where(ok, t + 1, 0)
        return carry

    lax.fori_loop(0, B_PER_W // LANES, remap, 0, unroll=4)

    copies = []
    for j in range(N_CHUNKS):
        copies.append(
            pltpu.async_copy(
                table_hbm.at[idx_v.at[pl.ds(j * CHUNK, CHUNK)]],
                rows_v.at[pl.ds(j * CHUNK, CHUNK)],
                sem,
            )
        )
    for c in copies:
        c.wait()

    pltpu.sync_copy(rows_v, out_hbm.at[pl.ds(base, B_PER_W)])


@jax.jit
def kernel(table, inputs):
    tokens = inputs.reshape(B).astype(jnp.int32)
    mesh = plsc.VectorSubcoreMesh(core_axis_name="c", subcore_axis_name="s")
    run = pl.kernel(
        _sc_body,
        out_type=jax.ShapeDtypeStruct((B, EMB), jnp.float32),
        mesh=mesh,
        scratch_types=[
            pltpu.VMEM((B_PER_W,), jnp.int32),
            pltpu.VMEM((B_PER_W, EMB), jnp.float32),
            pltpu.SemaphoreType.DMA,
        ],
    )
    return run(table, tokens)

# --- scband reference (transcript-rebuilt; emitter-appended) ---
"""Pipeline reference for scband-categorical-encoding-layer-39298950758610 (READ-ONLY COPY).

The authoritative reference and input builder live on the scoring server;
editing this copy changes nothing except your own understanding.
"""

import jax, jax.numpy as jnp
import numpy as np

B = 16384
VOCAB = 1000   # adapt() sees tokens 0..999
EMB = 128      # embedding_output_dim
# _IntegerLookup.adapt inserts oov_token (-1) at index 0, so vocab_size = 1001
VOCAB_SIZE = VOCAB + 1


def setup_inputs(seed: int = 0) -> dict:
    key = jax.random.key(seed)
    k1, k2 = jax.random.split(key)
    inputs = jax.random.randint(k1, (B, 1), 0, VOCAB)
    # Embedding table: input_dim = vocabulary_size() = 1001, output_dim = 128
    table = jax.random.normal(k2, (VOCAB_SIZE, EMB), dtype=jnp.float32) * 0.05
    return {"table": table, "inputs": inputs}


def reference(table, inputs):
    # _IntegerLookup: StaticHashTable built from vocabulary [-1, 0, 1, ..., 999]
    # mapping token -> row index; tokens 0..999 map to 1..1000, anything else
    # (OOV) maps to index of oov_token, which is 0.
    inputs = inputs.astype(jnp.int32)
    idx = jnp.where((inputs >= 0) & (inputs < VOCAB), inputs + 1, 0)
    # tf.keras.layers.Embedding -> gather rows
    emb = jnp.take(table, idx, axis=0)  # [B, 1, EMB], rank 3
    # call(): tf.squeeze(x, axis=1) because rank == 3
    return jnp.squeeze(emb, axis=1)      # [B, EMB]

if __name__ == "__main__":
    import jax
    _d = setup_inputs()
    print(jax.jit(kernel)(*tuple(_d.values())))

</pallas_src>

<mosaic_0001>
#map = affine_map<(d0, d1) -> (0, 0)>
#map1 = affine_map<(d0, d1) -> (0)>
module attributes {stable_mosaic.version = 14 : i64} {
  func.func @_sc_body(%arg0: i32, %arg1: i32, %arg2: memref<1001x128xf32, #tpu.memory_space<hbm>>, %arg3: memref<16384xi32, #tpu.memory_space<hbm>>, %arg4: memref<16384x128xf32, #tpu.memory_space<hbm>>, %arg5: memref<512xi32, #tpu.memory_space<vmem>>, %arg6: memref<512x128xf32, #tpu.memory_space<vmem>>, %arg7: memref<!tpu.dma_semaphore, #tpu.memory_space<semaphore_mem>>) attributes {dimension_semantics = [#tpu.dimension_semantics<core_parallel>, #tpu.dimension_semantics<subcore_parallel>], iteration_bounds = array<i64: 2, 16>, scalar_prefetch = 0 : i64, scratch_operands = 3 : i64, tpu.core_type = #tpu.core_type<sc_vector_subcore>, window_params = [{transform_indices = #map}, {transform_indices = #map1}, {transform_indices = #map}]} {
    %mul3A = arith.constant 2 : i32
    %mul3A_0 = arith.muli %arg1, %mul3A : i32
    %add3A = arith.addi %mul3A_0, %arg0 : i32
    %mul3A_1 = arith.constant 512 : i32
    %mul3A_2 = arith.muli %add3A, %mul3A_1 : i32
    "tpu.region"() ({
      %run_scoped3A = tpu.sem_alloc : memref<!tpu.dma_semaphore, #tpu.memory_space<semaphore_mem>>
      %dma_start3A_70 = tpu.memref_slice %arg3[%mul3A_2] : memref<16384xi32, #tpu.memory_space<hbm>> -> memref<512xi32, #tpu.memory_space<hbm>>
      %dma_start3A_71 = tpu.memref_slice %arg3[%mul3A_2] : memref<16384xi32, #tpu.memory_space<hbm>> -> memref<512xi32, #tpu.memory_space<hbm>>
      tpu.enqueue_dma source(%dma_start3A_71 : memref<512xi32, #tpu.memory_space<hbm>>) target(%arg5 : memref<512xi32, #tpu.memory_space<vmem>>) target_semaphore(%run_scoped3A : memref<!tpu.dma_semaphore, #tpu.memory_space<semaphore_mem>>)
      %dma_wait3A_72 = tpu.memref_slice %arg3[%mul3A_2] : memref<16384xi32, #tpu.memory_space<hbm>> -> memref<512xi32, #tpu.memory_space<hbm>>
      %dma_wait3A_73 = tpu.memref_slice %arg3[%mul3A_2] : memref<16384xi32, #tpu.memory_space<hbm>> -> memref<512xi32, #tpu.memory_space<hbm>>
      tpu.wait_dma2 semaphore(%run_scoped3A : memref<!tpu.dma_semaphore, #tpu.memory_space<semaphore_mem>>) src(%dma_wait3A_73 : memref<512xi32, #tpu.memory_space<hbm>>) dst(%arg5 : memref<512xi32, #tpu.memory_space<vmem>>)
      tpu.yield
    }) : () -> ()
    %scan3A = arith.constant 0 : i32
    %scan3A_3 = arith.constant 0 : i32
    %scan3A_4 = arith.constant 32 : i32
    %scan3A_5 = arith.addi %scan3A_3, %scan3A_4 : i32
    %scan3A_6 = arith.constant 4 : i32
    scf.for %scan3A_70 = %scan3A_3 to %scan3A_5 step %scan3A_6  : i32 {
      %mul3A_71 = arith.constant 16 : i32
      %mul3A_72 = arith.muli %scan3A_70, %mul3A_71 : i32
      %get3A = arith.index_cast %mul3A_72 : i32 to index
      %get3A_73 = tpu.vector_load %arg5[%get3A] {strides = array<i32>} : memref<512xi32, #tpu.memory_space<vmem>>, vector<16xi32>,
      %get3A_74 = vector.shape_cast %get3A_73 : vector<16xi32> to vector<16xi32>
      %ge3A = arith.constant 0 : i32
      %ge3A_75 = vector.broadcast %ge3A : i32 to vector<16xi32>
      %ge3A_76 = arith.cmpi sge, %get3A_74, %ge3A_75 : vector<16xi32>
      %lt3A = arith.constant 1000 : i32
      %lt3A_77 = vector.broadcast %lt3A : i32 to vector<16xi32>
      %lt3A_78 = arith.cmpi slt, %get3A_74, %lt3A_77 : vector<16xi32>
      %and3A = arith.andi %ge3A_76, %lt3A_78 : vector<16xi1>
      %add3A_79 = arith.constant 1 : i32
      %add3A_80 = vector.broadcast %add3A_79 : i32 to vector<16xi32>
      %add3A_81 = arith.addi %get3A_74, %add3A_80 : vector<16xi32>
      %jit3A = arith.constant 0 : i32
      %broadcast_in_dim3A = vector.broadcast %jit3A : i32 to vector<16xi32>
      %select_n3A = arith.select %and3A, %add3A_81, %broadcast_in_dim3A : vector<16xi1>, vector<16xi32>
      %mul3A_82 = arith.constant 16 : i32
      %mul3A_83 = arith.muli %scan3A_70, %mul3A_82 : i32
      %swap3A = arith.index_cast %mul3A_83 : i32 to index
      %swap3A_84 = tpu.vector_load %arg5[%swap3A] {strides = array<i32>} : memref<512xi32, #tpu.memory_space<vmem>>, vector<16xi32>,
      %swap3A_85 = vector.shape_cast %swap3A_84 : vector<16xi32> to vector<16xi32>
      %swap3A_86 = vector.shape_cast %select_n3A : vector<16xi32> to vector<16xi32>
      tpu.vector_store %arg5[%swap3A], %swap3A_86 {strides = array<i32>} : memref<512xi32, #tpu.memory_space<vmem>>, vector<16xi32>,
      %scan3A_87 = arith.constant 1 : i32
      %scan3A_88 = arith.addi %scan3A_70, %scan3A_87 : i32
      %mul3A_89 = arith.constant 16 : i32
      %mul3A_90 = arith.muli %scan3A_88, %mul3A_89 : i32
      %get3A_91 = arith.index_cast %mul3A_90 : i32 to index
      %get3A_92 = tpu.vector_load %arg5[%get3A_91] {strides = array<i32>} : memref<512xi32, #tpu.memory_space<vmem>>, vector<16xi32>,
      %get3A_93 = vector.shape_cast %get3A_92 : vector<16xi32> to vector<16xi32>
      %ge3A_94 = arith.constant 0 : i32
      %ge3A_95 = vector.broadcast %ge3A_94 : i32 to vector<16xi32>
      %ge3A_96 = arith.cmpi sge, %get3A_93, %ge3A_95 : vector<16xi32>
      %lt3A_97 = arith.constant 1000 : i32
      %lt3A_98 = vector.broadcast %lt3A_97 : i32 to vector<16xi32>
      %lt3A_99 = arith.cmpi slt, %get3A_93, %lt3A_98 : vector<16xi32>
      %and3A_100 = arith.andi %ge3A_96, %lt3A_99 : vector<16xi1>
      %add3A_101 = arith.constant 1 : i32
      %add3A_102 = vector.broadcast %add3A_101 : i32 to vector<16xi32>
      %add3A_103 = arith.addi %get3A_93, %add3A_102 : vector<16xi32>
      %jit3A_104 = arith.constant 0 : i32
      %broadcast_in_dim3A_105 = vector.broadcast %jit3A_104 : i32 to vector<16xi32>
      %select_n3A_106 = arith.select %and3A_100, %add3A_103, %broadcast_in_dim3A_105 : vector<16xi1>, vector<16xi32>
      %mul3A_107 = arith.constant 16 : i32
      %mul3A_108 = arith.muli %scan3A_88, %mul3A_107 : i32
      %swap3A_109 = arith.index_cast %mul3A_108 : i32 to index
      %swap3A_110 = tpu.vector_load %arg5[%swap3A_109] {strides = array<i32>} : memref<512xi32, #tpu.memory_space<vmem>>, vector<16xi32>,
      %swap3A_111 = vector.shape_cast %swap3A_110 : vector<16xi32> to vector<16xi32>
      %swap3A_112 = vector.shape_cast %select_n3A_106 : vector<16xi32> to vector<16xi32>
      tpu.vector_store %arg5[%swap3A_109], %swap3A_112 {strides = array<i32>} : memref<512xi32, #tpu.memory_space<vmem>>, vector<16xi32>,
      %scan3A_113 = arith.constant 2 : i32
      %scan3A_114 = arith.addi %scan3A_70, %scan3A_113 : i32
      %mul3A_115 = arith.constant 16 : i32
      %mul3A_116 = arith.muli %scan3A_114, %mul3A_115 : i32
      %get3A_117 = arith.index_cast %mul3A_116 : i32 to index
      %get3A_118 = tpu.vector_load %arg5[%get3A_117] {strides = array<i32>} : memref<512xi32, #tpu.memory_space<vmem>>, vector<16xi32>,
      %get3A_119 = vector.shape_cast %get3A_118 : vector<16xi32> to vector<16xi32>
      %ge3A_120 = arith.constant 0 : i32
      %ge3A_121 = vector.broadcast %ge3A_120 : i32 to vector<16xi32>
      %ge3A_122 = arith.cmpi sge, %get3A_119, %ge3A_121 : vector<16xi32>
      %lt3A_123 = arith.constant 1000 : i32
      %lt3A_124 = vector.broadcast %lt3A_123 : i32 to vector<16xi32>
      %lt3A_125 = arith.cmpi slt, %get3A_119, %lt3A_124 : vector<16xi32>
      %and3A_126 = arith.andi %ge3A_122, %lt3A_125 : vector<16xi1>
      %add3A_127 = arith.constant 1 : i32
      %add3A_128 = vector.broadcast %add3A_127 : i32 to vector<16xi32>
      %add3A_129 = arith.addi %get3A_119, %add3A_128 : vector<16xi32>
      %jit3A_130 = arith.constant 0 : i32
      %broadcast_in_dim3A_131 = vector.broadcast %jit3A_130 : i32 to vector<16xi32>
      %select_n3A_132 = arith.select %and3A_126, %add3A_129, %broadcast_in_dim3A_131 : vector<16xi1>, vector<16xi32>
      %mul3A_133 = arith.constant 16 : i32
      %mul3A_134 = arith.muli %scan3A_114, %mul3A_133 : i32
      %swap3A_135 = arith.index_cast %mul3A_134 : i32 to index
      %swap3A_136 = tpu.vector_load %arg5[%swap3A_135] {strides = array<i32>} : memref<512xi32, #tpu.memory_space<vmem>>, vector<16xi32>,
      %swap3A_137 = vector.shape_cast %swap3A_136 : vector<16xi32> to vector<16xi32>
      %swap3A_138 = vector.shape_cast %select_n3A_132 : vector<16xi32> to vector<16xi32>
      tpu.vector_store %arg5[%swap3A_135], %swap3A_138 {strides = array<i32>} : memref<512xi32, #tpu.memory_space<vmem>>, vector<16xi32>,
      %scan3A_139 = arith.constant 3 : i32
      %scan3A_140 = arith.addi %scan3A_70, %scan3A_139 : i32
      %mul3A_141 = arith.constant 16 : i32
      %mul3A_142 = arith.muli %scan3A_140, %mul3A_141 : i32
      %get3A_143 = arith.index_cast %mul3A_142 : i32 to index
      %get3A_144 = tpu.vector_load %arg5[%get3A_143] {strides = array<i32>} : memref<512xi32, #tpu.memory_space<vmem>>, vector<16xi32>,
      %get3A_145 = vector.shape_cast %get3A_144 : vector<16xi32> to vector<16xi32>
      %ge3A_146 = arith.constant 0 : i32
      %ge3A_147 = vector.broadcast %ge3A_146 : i32 to vector<16xi32>
      %ge3A_148 = arith.cmpi sge, %get3A_145, %ge3A_147 : vector<16xi32>
      %lt3A_149 = arith.constant 1000 : i32
      %lt3A_150 = vector.broadcast %lt3A_149 : i32 to vector<16xi32>
      %lt3A_151 = arith.cmpi slt, %get3A_145, %lt3A_150 : vector<16xi32>
      %and3A_152 = arith.andi %ge3A_148, %lt3A_151 : vector<16xi1>
      %add3A_153 = arith.constant 1 : i32
      %add3A_154 = vector.broadcast %add3A_153 : i32 to vector<16xi32>
      %add3A_155 = arith.addi %get3A_145, %add3A_154 : vector<16xi32>
      %jit3A_156 = arith.constant 0 : i32
      %broadcast_in_dim3A_157 = vector.broadcast %jit3A_156 : i32 to vector<16xi32>
      %select_n3A_158 = arith.select %and3A_152, %add3A_155, %broadcast_in_dim3A_157 : vector<16xi1>, vector<16xi32>
      %mul3A_159 = arith.constant 16 : i32
      %mul3A_160 = arith.muli %scan3A_140, %mul3A_159 : i32
      %swap3A_161 = arith.index_cast %mul3A_160 : i32 to index
      %swap3A_162 = tpu.vector_load %arg5[%swap3A_161] {strides = array<i32>} : memref<512xi32, #tpu.memory_space<vmem>>, vector<16xi32>,
      %swap3A_163 = vector.shape_cast %swap3A_162 : vector<16xi32> to vector<16xi32>
      %swap3A_164 = vector.shape_cast %select_n3A_158 : vector<16xi32> to vector<16xi32>
      tpu.vector_store %arg5[%swap3A_161], %swap3A_164 {strides = array<i32>} : memref<512xi32, #tpu.memory_space<vmem>>, vector<16xi32>,
    }
    %scan3A_7 = arith.constant 32 : i32
    %dma_start3A = arith.constant 0 : i32
    %dma_start3A_8 = arith.constant 0 : i32
    %dma_start3A_9 = tpu.memref_slice %arg6[%dma_start3A, %dma_start3A_8] : memref<512x128xf32, #tpu.memory_space<vmem>> -> memref<128x128xf32, #tpu.memory_space<vmem>>
    %dma_start3A_10 = arith.constant 0 : i32
    %dma_start3A_11 = tpu.memref_slice %arg5[%dma_start3A_10] : memref<512xi32, #tpu.memory_space<vmem>> -> memref<128xi32, #tpu.memory_space<vmem>>
    %dma_start3A_12 = arith.constant 0 : i32
    %dma_start3A_13 = arith.constant 0 : i32
    %dma_start3A_14 = tpu.memref_slice %arg2[%dma_start3A_12, %dma_start3A_13] : memref<1001x128xf32, #tpu.memory_space<hbm>> -> memref<1001x128xf32, #tpu.memory_space<hbm>>
    tpu.enqueue_indirect_dma source(%dma_start3A_14 : memref<1001x128xf32, #tpu.memory_space<hbm>>) target(%dma_start3A_9 : memref<128x128xf32, #tpu.memory_space<vmem>>) offsets(%dma_start3A_11 : memref<128xi32, #tpu.memory_space<vmem>>) semaphore(%arg7 : memref<!tpu.dma_semaphore, #tpu.memory_space<semaphore_mem>>)
    %dma_start3A_15 = arith.constant 128 : i32
    %dma_start3A_16 = arith.constant 0 : i32
    %dma_start3A_17 = tpu.memref_slice %arg6[%dma_start3A_15, %dma_start3A_16] : memref<512x128xf32, #tpu.memory_space<vmem>> -> memref<128x128xf32, #tpu.memory_space<vmem>>
    %dma_start3A_18 = arith.constant 128 : i32
    %dma_start3A_19 = tpu.memref_slice %arg5[%dma_start3A_18] : memref<512xi32, #tpu.memory_space<vmem>> -> memref<128xi32, #tpu.memory_space<vmem>>
    %dma_start3A_20 = arith.constant 0 : i32
    %dma_start3A_21 = arith.constant 0 : i32
    %dma_start3A_22 = tpu.memref_slice %arg2[%dma_start3A_20, %dma_start3A_21] : memref<1001x128xf32, #tpu.memory_space<hbm>> -> memref<1001x128xf32, #tpu.memory_space<hbm>>
    tpu.enqueue_indirect_dma source(%dma_start3A_22 : memref<1001x128xf32, #tpu.memory_space<hbm>>) target(%dma_start3A_17 : memref<128x128xf32, #tpu.memory_space<vmem>>) offsets(%dma_start3A_19 : memref<128xi32, #tpu.memory_space<vmem>>) semaphore(%arg7 : memref<!tpu.dma_semaphore, #tpu.memory_space<semaphore_mem>>)
    %dma_start3A_23 = arith.constant 256 : i32
    %dma_start3A_24 = arith.constant 0 : i32
    %dma_start3A_25 = tpu.memref_slice %arg6[%dma_start3A_23, %dma_start3A_24] : memref<512x128xf32, #tpu.memory_space<vmem>> -> memref<128x128xf32, #tpu.memory_space<vmem>>
    %dma_start3A_26 = arith.constant 256 : i32
    %dma_start3A_27 = tpu.memref_slice %arg5[%dma_start3A_26] : memref<512xi32, #tpu.memory_space<vmem>> -> memref<128xi32, #tpu.memory_space<vmem>>
    %dma_start3A_28 = arith.constant 0 : i32
    %dma_start3A_29 = arith.constant 0 : i32
    %dma_start3A_30 = tpu.memref_slice %arg2[%dma_start3A_28, %dma_start3A_29] : memref<1001x128xf32, #tpu.memory_space<hbm>> -> memref<1001x128xf32, #tpu.memory_space<hbm>>
    tpu.enqueue_indirect_dma source(%dma_start3A_30 : memref<1001x128xf32, #tpu.memory_space<hbm>>) target(%dma_start3A_25 : memref<128x128xf32, #tpu.memory_space<vmem>>) offsets(%dma_start3A_27 : memref<128xi32, #tpu.memory_space<vmem>>) semaphore(%arg7 : memref<!tpu.dma_semaphore, #tpu.memory_space<semaphore_mem>>)
    %dma_start3A_31 = arith.constant 384 : i32
    %dma_start3A_32 = arith.constant 0 : i32
    %dma_start3A_33 = tpu.memref_slice %arg6[%dma_start3A_31, %dma_start3A_32] : memref<512x128xf32, #tpu.memory_space<vmem>> -> memref<128x128xf32, #tpu.memory_space<vmem>>
    %dma_start3A_34 = arith.constant 384 : i32
    %dma_start3A_35 = tpu.memref_slice %arg5[%dma_start3A_34] : memref<512xi32, #tpu.memory_space<vmem>> -> memref<128xi32, #tpu.memory_space<vmem>>
    %dma_start3A_36 = arith.constant 0 : i32
    %dma_start3A_37 = arith.constant 0 : i32
    %dma_start3A_38 = tpu.memref_slice %arg2[%dma_start3A_36, %dma_start3A_37] : memref<1001x128xf32, #tpu.memory_space<hbm>> -> memref<1001x128xf32, #tpu.memory_space<hbm>>
    tpu.enqueue_indirect_dma source(%dma_start3A_38 : memref<1001x128xf32, #tpu.memory_space<hbm>>) target(%dma_start3A_33 : memref<128x128xf32, #tpu.memory_space<vmem>>) offsets(%dma_start3A_35 : memref<128xi32, #tpu.memory_space<vmem>>) semaphore(%arg7 : memref<!tpu.dma_semaphore, #tpu.memory_space<semaphore_mem>>)
    %dma_wait3A = arith.constant 0 : i32
    %dma_wait3A_39 = arith.constant 0 : i32
    %dma_wait3A_40 = tpu.memref_slice %arg6[%dma_wait3A, %dma_wait3A_39] : memref<512x128xf32, #tpu.memory_space<vmem>> -> memref<128x128xf32, #tpu.memory_space<vmem>>
    %dma_wait3A_41 = arith.constant 0 : i32
    %dma_wait3A_42 = tpu.memref_slice %arg5[%dma_wait3A_41] : memref<512xi32, #tpu.memory_space<vmem>> -> memref<128xi32, #tpu.memory_space<vmem>>
    %dma_wait3A_43 = arith.constant 0 : i32
    %dma_wait3A_44 = arith.constant 0 : i32
    %dma_wait3A_45 = tpu.memref_slice %arg2[%dma_wait3A_43, %dma_wait3A_44] : memref<1001x128xf32, #tpu.memory_space<hbm>> -> memref<1001x128xf32, #tpu.memory_space<hbm>>
    tpu.wait_indirect_dma semaphore(%arg7 : memref<!tpu.dma_semaphore, #tpu.memory_space<semaphore_mem>>) src(%dma_wait3A_45 : memref<1001x128xf32, #tpu.memory_space<hbm>>) dst(%dma_wait3A_40 : memref<128x128xf32, #tpu.memory_space<vmem>>)
    %dma_wait3A_46 = arith.constant 128 : i32
    %dma_wait3A_47 = arith.constant 0 : i32
    %dma_wait3A_48 = tpu.memref_slice %arg6[%dma_wait3A_46, %dma_wait3A_47] : memref<512x128xf32, #tpu.memory_space<vmem>> -> memref<128x128xf32, #tpu.memory_space<vmem>>
    %dma_wait3A_49 = arith.constant 128 : i32
    %dma_wait3A_50 = tpu.memref_slice %arg5[%dma_wait3A_49] : memref<512xi32, #tpu.memory_space<vmem>> -> memref<128xi32, #tpu.memory_space<vmem>>
    %dma_wait3A_51 = arith.constant 0 : i32
    %dma_wait3A_52 = arith.constant 0 : i32
    %dma_wait3A_53 = tpu.memref_slice %arg2[%dma_wait3A_51, %dma_wait3A_52] : memref<1001x128xf32, #tpu.memory_space<hbm>> -> memref<1001x128xf32, #tpu.memory_space<hbm>>
    tpu.wait_indirect_dma semaphore(%arg7 : memref<!tpu.dma_semaphore, #tpu.memory_space<semaphore_mem>>) src(%dma_wait3A_53 : memref<1001x128xf32, #tpu.memory_space<hbm>>) dst(%dma_wait3A_48 : memref<128x128xf32, #tpu.memory_space<vmem>>)
    %dma_wait3A_54 = arith.constant 256 : i32
    %dma_wait3A_55 = arith.constant 0 : i32
    %dma_wait3A_56 = tpu.memref_slice %arg6[%dma_wait3A_54, %dma_wait3A_55] : memref<512x128xf32, #tpu.memory_space<vmem>> -> memref<128x128xf32, #tpu.memory_space<vmem>>
    %dma_wait3A_57 = arith.constant 256 : i32
    %dma_wait3A_58 = tpu.memref_slice %arg5[%dma_wait3A_57] : memref<512xi32, #tpu.memory_space<vmem>> -> memref<128xi32, #tpu.memory_space<vmem>>
    %dma_wait3A_59 = arith.constant 0 : i32
    %dma_wait3A_60 = arith.constant 0 : i32
    %dma_wait3A_61 = tpu.memref_slice %arg2[%dma_wait3A_59, %dma_wait3A_60] : memref<1001x128xf32, #tpu.memory_space<hbm>> -> memref<1001x128xf32, #tpu.memory_space<hbm>>
    tpu.wait_indirect_dma semaphore(%arg7 : memref<!tpu.dma_semaphore, #tpu.memory_space<semaphore_mem>>) src(%dma_wait3A_61 : memref<1001x128xf32, #tpu.memory_space<hbm>>) dst(%dma_wait3A_56 : memref<128x128xf32, #tpu.memory_space<vmem>>)
    %dma_wait3A_62 = arith.constant 384 : i32
    %dma_wait3A_63 = arith.constant 0 : i32
    %dma_wait3A_64 = tpu.memref_slice %arg6[%dma_wait3A_62, %dma_wait3A_63] : memref<512x128xf32, #tpu.memory_space<vmem>> -> memref<128x128xf32, #tpu.memory_space<vmem>>
    %dma_wait3A_65 = arith.constant 384 : i32
    %dma_wait3A_66 = tpu.memref_slice %arg5[%dma_wait3A_65] : memref<512xi32, #tpu.memory_space<vmem>> -> memref<128xi32, #tpu.memory_space<vmem>>
    %dma_wait3A_67 = arith.constant 0 : i32
    %dma_wait3A_68 = arith.constant 0 : i32
    %dma_wait3A_69 = tpu.memref_slice %arg2[%dma_wait3A_67, %dma_wait3A_68] : memref<1001x128xf32, #tpu.memory_space<hbm>> -> memref<1001x128xf32, #tpu.memory_space<hbm>>
    tpu.wait_indirect_dma semaphore(%arg7 : memref<!tpu.dma_semaphore, #tpu.memory_space<semaphore_mem>>) src(%dma_wait3A_69 : memref<1001x128xf32, #tpu.memory_space<hbm>>) dst(%dma_wait3A_64 : memref<128x128xf32, #tpu.memory_space<vmem>>)
    "tpu.region"() ({
      %run_scoped3A = tpu.sem_alloc : memref<!tpu.dma_semaphore, #tpu.memory_space<semaphore_mem>>
      %dma_start3A_70 = arith.constant 0 : i32
      %dma_start3A_71 = tpu.memref_slice %arg4[%mul3A_2, %dma_start3A_70] : memref<16384x128xf32, #tpu.memory_space<hbm>> -> memref<512x128xf32, #tpu.memory_space<hbm>>
      %dma_start3A_72 = arith.constant 0 : i32
      %dma_start3A_73 = tpu.memref_slice %arg4[%mul3A_2, %dma_start3A_72] : memref<16384x128xf32, #tpu.memory_space<hbm>> -> memref<512x128xf32, #tpu.memory_space<hbm>>
      tpu.enqueue_dma source(%arg6 : memref<512x128xf32, #tpu.memory_space<vmem>>) target(%dma_start3A_73 : memref<512x128xf32, #tpu.memory_space<hbm>>) target_semaphore(%run_scoped3A : memref<!tpu.dma_semaphore, #tpu.memory_space<semaphore_mem>>)
      %dma_wait3A_74 = arith.constant 0 : i32
      %dma_wait3A_75 = tpu.memref_slice %arg4[%mul3A_2, %dma_wait3A_74] : memref<16384x128xf32, #tpu.memory_space<hbm>> -> memref<512x128xf32, #tpu.memory_space<hbm>>
      %dma_wait3A_76 = arith.constant 0 : i32
      %dma_wait3A_77 = tpu.memref_slice %arg4[%mul3A_2, %dma_wait3A_76] : memref<16384x128xf32, #tpu.memory_space<hbm>> -> memref<512x128xf32, #tpu.memory_space<hbm>>
      tpu.wait_dma2 semaphore(%run_scoped3A : memref<!tpu.dma_semaphore, #tpu.memory_space<semaphore_mem>>) src(%arg6 : memref<512x128xf32, #tpu.memory_space<vmem>>) dst(%dma_wait3A_77 : memref<512x128xf32, #tpu.memory_space<hbm>>)
      tpu.yield
    }) : () -> ()
    return
  }
}

</mosaic_0001>

<sc_bundles>
// kernel: kernel.3.cloned.1.call-start
scs
__scs_entry_jumppad:
0x0: {  	(pc) =	sbr.rel $0x88, $3  }
0x1: {  	(tag) =	ssettag $0x0;
	lr =	simm.s32 $0x1  }
0x2: {  	[smem:$0x3F9F] =	sst lr;
	_ =	strace $0xD0000000  }
0x3: {  	_ = 	snop  }
0x4: {  	_ = 	snop  }
0x5: {  	_ = 	snop  }
0x6: {  	_ = 	snop  }
0x7: {  	_ = 	snop  }
__scs_overlays_trampoline_lowered:
0x8: {  	[smem:$0x3FAE] =	sst s0  }
0x9: {  	[smem:$0x3FAF] =	sst s1  }
0xa: {  	[smem:$0x3FB0] =	sst s2  }
0xb: {  	[smem:$0x3FB1] =	sst s3  }
0xc: {  	[smem:$0x3FB2] =	sst s4  }
0xd: {  	[smem:$0x3FB3] =	sst s5  }
0xe: {  	[smem:$0x3FB4] =	sst s6  }
0xf: {  	[smem:$0x3FB5] =	sst s7  }
0x10: {  	[smem:$0x3FB6] =	sst s8  }
0x11: {  	[smem:$0x3FB7] =	sst s9;
	s0 =	simm.s32 @!p0 $0x0  }
0x12: {  	s1 =	sld [smem:$0x3F9D];
	s0 =	simm.s32 @p0 $0x1  }
0x13: {  	[smem:$0x3FB8] =	sst s0;
	s0 =	simm.s32 @!p1 $0x0  }
0x14: {  	s2 =	sld [smem:$0x3F9C];
	s0 =	simm.s32 @p1 $0x1  }
0x15: {  	[smem:$0x3FB9] =	sst s0;
	s0 =	simm.s32 @!p2 $0x0  }
0x16: {  	s3 =	sld [smem:$0x3FDB];
	s0 =	simm.s32 @p2 $0x1  }
0x17: {  	s4 =	simm.s32 $0x1BF5;
	[smem:$0x3FBB] =	sst s0  }
0x18: {  	s0 =	sld [smem:$0x3F9E];
	_ =	swait.ge [sflag:s4], $0x0  }
0x19: {  	s7 =	sld [smem:$0x3F9F]  }
0x1a: {  	s8 =	sadd.s32 $0xFFFFE003, lr  }
0x1b: {  	s9 =	sadd.s32 $0xFFFFFEF7, lr;
	s5 =	simm.s32 $0xFFFFFFFF;
	p2 =	slt.u32 s8, $0xFFFFF086  }
0x1c: {  	p1 =	slt.u32 s9, $0xF7A;
	s5 =	simm.s32 @!p2 $0x0  }
0x1d: {  	s5 =	simm.s32 @p1 $0x1;
	p0 =	seq.s32 s7, s2  }
0x1e: {  	s7 =	smul.u32 @!p0 $0xF7A, s2;
	p2 =	seq.s32 @!p0 s5, $0x0  }
0x1f: {  	s9 =	smul.u32 $0xF7A, s1;
	s8 =	simm.s32 @!p0 $0x1BF5;
	p2 =	por !p2, p0  }
0x20: {  	[sflag:s8] =	ssyncset.s32 @!p0 $0xFFFFF086;
	s6 =	sadd.s32 @!p0 s3, s7;
	s7 =	simm.s32 @!p0 $0x108  }
0x21: {  	s3 =	sadd.s32 s3, s9;
	s6 =	sadd.s32 @!p0 $0x88, s6;
	s7 =	simm.s32 @p2 $0x1082  }
0x22: {  	[simem:s7], [sflag:s8] =	dma.local @!p0 [hbm:s6], $0xF7A  }
0x23: {  	s9 =	sor.u32 $0xD0000000, s2;
	s6 =	simm.s32 $0x108;
	_ =	swait.ge @!p0 [sflag:s8], $0x0  }
0x24: {  	s3 =	sadd.s32 $0x88, s3;
	s6 =	simm.s32 @!p1 $0x1082;
	[sflag:s4] =	ssyncset.s32 $0xFFFFF086  }
0x25: {  	[simem:s6], [sflag:s4] =	dma.local [hbm:s3], $0xF7A  }
0x26: {  	[smem:$0x3F9F] =	sst s1;
	(tag) =	ssettag s2;
	_ =	strace s9  }
0x27: {  	s1 =	sld [smem:$0x3FAF]  }
0x28: {  	s2 =	sld [smem:$0x3FB0]  }
0x29: {  	s4 =	sld [smem:$0x3FB2]  }
0x2a: {  	p0 =	seq.s32 s5, $0x0;
	s5 =	sld [smem:$0x3FB3]  }
0x2b: {  	s6 =	sld [smem:$0x3FB4]  }
0x2c: {  	s7 =	sld [smem:$0x3FB5]  }
0x2d: {  	s3 =	simm.s32 $0x108;
	s8 =	sld [smem:$0x3FB6]  }
0x2e: {  	s3 =	simm.s32 @!p0 $0x1082;
	s9 =	sld [smem:$0x3FB7]  }
0x2f: {  	lr =	sadd.s32 s0, s3;
	s0 =	sld [smem:$0x3FAE]  }
0x30: {  	s3 =	sld [smem:$0x3FB1]  }
0x31: {  	[smem:$0x3FBA] =	sst s10  }
0x32: {  	s10 =	sld [smem:$0x3FB8];
	_ =	sdelay $0x3  }
0x33: {  	p0 =	seq.s32 s10, $0x1;
	s10 =	sld [smem:$0x3FBA];
	_ =	sdelay $0x3  }
0x34: {  	[smem:$0x3FBA] =	sst s10  }
0x35: {  	s10 =	sld [smem:$0x3FB9];
	_ =	sdelay $0x3  }
0x36: {  	p1 =	seq.s32 s10, $0x1;
	s10 =	sld [smem:$0x3FBA];
	_ =	sdelay $0x3  }
0x37: {  	[smem:$0x3FBA] =	sst s10  }
0x38: {  	s10 =	sld [smem:$0x3FBB]  }
0x39: {  	_ = 	snop;
	(pc) =	sbr.ind lr, $3  }
0x3a: {  	_ = 	snop  }
0x3b: {  	_ = 	snop  }
0x3c: {  	p2 =	seq.s32 s10, $0x1;
	s10 =	sld [smem:$0x3FBA]  }
0x3d: {  	_ =	shalt  }
0x3e: {  	_ =	shalt  }
0x3f: {  	_ =	shalt  }
0x40: {  	_ =	shalt  }
0x41: {  	_ =	shalt  }
0x42: {  	_ =	shalt  }
0x43: {  	_ =	shalt  }
0x44: {  	_ =	shalt  }
0x45: {  	_ =	shalt  }
0x46: {  	_ =	shalt  }
0x47: {  	_ =	shalt  }
0x48: {  	_ =	shalt  }
0x49: {  	_ =	shalt  }
0x4a: {  	_ =	shalt  }
0x4b: {  	_ =	shalt  }
0x4c: {  	_ =	shalt  }
0x4d: {  	_ =	shalt  }
0x4e: {  	_ =	shalt  }
0x4f: {  	_ =	shalt  }
0x50: {  	_ =	shalt  }
0x51: {  	_ =	shalt  }
0x52: {  	_ =	shalt  }
0x53: {  	_ =	shalt  }
0x54: {  	_ =	shalt  }
0x55: {  	_ =	shalt  }
0x56: {  	_ =	shalt  }
0x57: {  	_ =	shalt  }
0x58: {  	_ =	shalt  }
0x59: {  	_ =	shalt  }
0x5a: {  	_ =	shalt  }
0x5b: {  	_ =	shalt  }
0x5c: {  	_ =	shalt  }
0x5d: {  	_ =	shalt  }
0x5e: {  	_ =	shalt  }
0x5f: {  	_ =	shalt  }
0x60: {  	_ =	shalt  }
0x61: {  	_ =	shalt  }
0x62: {  	_ =	shalt  }
0x63: {  	_ =	shalt  }
0x64: {  	_ =	shalt  }
0x65: {  	_ =	shalt  }
0x66: {  	_ =	shalt  }
0x67: {  	_ =	shalt  }
0x68: {  	_ =	shalt  }
0x69: {  	_ =	shalt  }
0x6a: {  	_ =	shalt  }
0x6b: {  	_ =	shalt  }
0x6c: {  	_ =	shalt  }
0x6d: {  	_ =	shalt  }
0x6e: {  	_ =	shalt  }
0x6f: {  	_ =	shalt  }
0x70: {  	_ =	shalt  }
0x71: {  	_ =	shalt  }
0x72: {  	_ =	shalt  }
0x73: {  	_ =	shalt  }
0x74: {  	_ =	shalt  }
0x75: {  	_ =	shalt  }
0x76: {  	_ =	shalt  }
0x77: {  	_ =	shalt  }
0x78: {  	_ =	shalt  }
0x79: {  	_ =	shalt  }
0x7a: {  	_ =	shalt  }
0x7b: {  	_ =	shalt  }
0x7c: {  	_ =	shalt  }
0x7d: {  	_ =	shalt  }
0x7e: {  	_ =	shalt  }
0x7f: {  	_ =	shalt  }
0x80: {  	_ =	shalt  }
0x81: {  	_ =	shalt  }
0x82: {  	_ =	shalt  }
0x83: {  	_ =	shalt  }
0x84: {  	_ =	shalt  }
0x85: {  	_ =	shalt  }
0x86: {  	_ =	shalt  }
0x87: {  	_ =	shalt  }
.Lfunc_end0:
.L_simem_size_0:
called_computation_lowered:
.L_overlay_start_0:
0x88: {  	s2 =	sld [smem:$0x3FD9]  }
0x89: {  	s3 =	sld [smem:$0x3FFE];
	_ =	sdelay $0x1  }
0x8a: {  	s1 =	srdreg.scid  }
0x8b: {  	s0 =	sand.u32 $0x1, s1  }
0x8c: {  	s18 =	sshll.u32 s0, $0xA;
	s2 =	sadd.s32 s3, s2  }
0x8d: {  	s2 =	sadd.s32 s2, s18  }
0x8e: {  	[smem:$0x3FC6] =	sst s2  }
0x8f: {  	_ = 	snop  }
0x90: {  	s2 =	sld [smem:$0x3FC9]  }
0x91: {  	s19 =	sld [smem:$0x3FC8]  }
0x92: {  	s4 =	sld [smem:$0x3FD0];
	(tm) =	ssettm $0x1  }
0x93: {  	s5 =	sld [smem:$0x3FFB];
	_ =	sdelay $0x3  }
0x94: {  	_ =	strace s5  }
0x95: {  	s5 =	sld [smem:$0x3FFC];
	_ =	sdelay $0x3  }
0x96: {  	_ =	strace s5  }
0x97: {  	s5 =	sld [smem:$0x3FFD];
	_ =	sdelay $0x3  }
0x98: {  	_ =	strace s5  }
0x99: {  	_ =	strace $0x8FFFFFFF  }
0x9a: {  	s20 =	sld [smem:$0x3FDB];
	_ =	sdelay $0x1  }
0x9b: {  	s6 =	simm.s32 $_scs_section_size  }
0x9c: {  	s7 =	simm.s32 $_size__tile_overlayer_lowered;
	s8 =	simm.s32 $_tile_overlayer_lowered  }
0x9d: {  	s23 =	simm.s32 $0x1BFF;
	s22 =	sshll.u32 s8, $0x1;
	s5 =	sadd.s32 s6, s20  }
0x9e: {  	s9 =	simm.s32 $0x0;
	s21 =	sshll.u32 s7, $0x1;
	s7 =	sadd.s32 s22, s5  }
0x9f: {  	[timem:s9], [sflag:s23] =	dma.local [hbm:s7], s21  }
0xa0: {  	_ =	swait.ge [sflag:s23], s21  }
0xa1: {  	s6 =	ssub.s32 $0x0, s21;
	[sflag:s23] =	ssyncset.done $0x0  }
0xa2: {  	[sflag:s23] =	ssyncadd.s32 s6;
	_ =	sdelay $0x1  }
0xa3: {  	s24 =	simm.s32 $0x1B8B  }
0xa4: {  	_ =	swait.ge [sflag:s24], $0x1  }
0xa5: {  	[sflag:s24] =	ssyncset.done $0x0  }
0xa6: {  	s25 =	simm.s32 $0x1B8E;
	[sflag:s24] =	ssyncadd.s32 $0xFFFFFFFF  }
0xa7: {  	s26 =	simm.s32 $execute0_lowered;
	[smem:$0x3FD2] =	sst s25  }
0xa8: {  	s6 =	sshll.u32 s26, $0x1;
	_ =	strace $0x80000046;
	[dreg:$0x1] =	wrdreg $0xFFFFFFFF  }
0xa9: {  	s28 =	simm.s32 $_size_execute0_lowered;
	s5 =	sadd.s32 s5, s6;
	[dreg:$0x0] =	wrdreg $0x0  }
0xaa: {  	s6 =	sshll.u32 s28, $0x1;
	[dreg:$0x2] =	wrdreg s5  }
0xab: {  	[dreg:$0x3] =	wrdreg s6  }
0xac: {  	[dreg:$0x4] =	wrdreg $0xC0  }
0xad: {  	_ =	task [dreg:s9], $0x5FFFF  }
0xae: {  	[dreg:$0x1] =	wrdreg $0xFFFFFFFF  }
0xaf: {  	[dreg:$0x0] =	wrdreg $0x60  }
0xb0: {  	[dreg:$0x2] =	wrdreg s2  }
0xb1: {  	[dreg:$0x3] =	wrdreg s19  }
0xb2: {  	[dreg:$0x4] =	wrdreg s4  }
0xb3: {  	[dreg:$0x5] =	wrdreg $0x9  }
0xb4: {  	_ =	task.clear_ibuf [dreg:s9], $0x6FFFF;
	_ =	strace $0x90000046  }
0xb5: {  	s29 =	simm.s32 $0x9;
	_ =	strace $0x80000048  }
0xb6: {  	_ =	swait.ge [sflag:s29], $0x1  }
0xb7: {  	[sflag:s29] =	ssyncadd.s32 $0xFFFFFFFF  }
0xb8: {  	_ =	strace $0x90000048  }
0xb9: {  	_ =	sfence  }
0xba: {  	s30 =	sld [smem:$0x0];
	_ =	sdelay $0x2  }
0xbb: {  	s31 =	sshll.u32 s1, $0xD;
	s1 =	sshrl.u32 s1, $0x2  }
0xbc: {  	s3 =	sand.u32 $0x4000, s31;
	s1 =	sadd.s32 s1, s30  }
0xbd: {  	s0 =	sor.u32 s3, s0;
	s1 =	sshll.u32 s1, $0x11  }
0xbe: {  	s0 =	sor.u32 s1, s0  }
0xbf: {  	s0 =	sadd.s32 $0x8F2B, s0  }
0xc0: {  	[sflag:s0] =	ssyncadd.remote.s32 $0x1  }
0xc1: {  	_ =	sfence.sel $0xFFFF  }
0xc2: {  	[dreg:$0x0] =	wrdreg $0xFFFFFFFF;
	(pc) =	sbr.abs _section_cstart, $3  }
0xc3: {  	[dreg:$0x1] =	wrdreg $0xFFFFFFFF  }
0xc4: {  	_ =	task.clear_ibuf [dreg:s9], $0x2FFFF;
	_ =	strace $0x9FFFFFFF  }
0xc5: {  	(tm) =	ssettm $0x7FFFFFFF  }
tec
execute0_lowered:
.L_overlay_start_1:
0x0: {  	(tag) =	ssettag $0x1  }
0x1: {  	s3 =	rddreg [dreg:$0x0]  }
0x2: {  	s4 =	rddreg [dreg:$0x1]  }
0x3: {  	s5 =	rddreg [dreg:$0x2]  }
0x4: {  	s2 =	srdreg.scid;
	s0 =	rddreg [dreg:$0x3]  }
0x5: {  	s1 =	stileid.u32;
	s10 =	simm.s32 $0x100;
	s6 =	sand.u32 $0x1, s2  }
0x6: {  	s11 =	simm.s32 $0x8200;
	s8 =	sshll.u32 s6, $0x9;
	s6 =	ssub.s32 $0x2, s6  }
0x7: {  	s12 =	simm.s32 $0x180;
	s13 =	simm.s32 $0xC200;
	s30 =	sshrl.u32 s6, $0x1  }
0x8: {  	s2 =	simm.s32 $0x0;
	s7 =	sshll.u32 s1, $0xA;
	s6 =	ssub.s32 s6, s30  }
0x9: {  	[smem:$0x7FF] =	sst s2;
	s7 =	sor.u32 s8, s7;
	s15 =	smax.u32 s6, $0x1  }
0xa: {  	_ =	strace $0x80000047;
	s8 =	simm.s32 $0x80;
	p0 =	sne.s32 s15, $0x1  }
.Ltmp0:
0xb: {  	s9 =	sshrl.u32 s7, $0x3;
	s31 =	sshll.u32 s7, $0x4;
	(pc) =	sbr.rel @!p0 .LBB2_2-.Ltmp0, $4  }
0xc: {  	s7 =	simm.s32 $0x1;
	s14 =	sadd.s32 s4, s9;
	s4 =	simm.s32 $0x2  }
0xd: {  	[tilespmem:s2], [sflag:$0x2] =	stream.linear.gather [hbm4b:s14+s2], $0x200, $0x38;
	[tilespmem:$0x10200] =	vst v63  }
0xe: {  	s5 =	sadd.s32 s5, s31;
	s6 =	simm.s32 $0x200;
	_ =	swait.ge [sflag:s4], $0x200  }
0xf: {  	s9 =	simm.s32 $0x4200;
	s15 =	sadd.s32 $0xFFFFFFFF, s15;
	[sflag:s4] =	ssyncset.done $0x0  }
.LBB2_1:
0x10: {  	p0 =	sne.s32 s15, $0x1;
	s15 =	sadd.s32 $0xFFFFFFFF, s15;
	[sflag:s4] =	ssyncadd.s32 $0xFFFFFE00  }
0x11: {  	v0 =	vld [tilespmem:$0x160]  }
0x12: {  	v1 =	vld [tilespmem:$0x170]  }
0x13: {  	v2 =	vld [tilespmem:$0x1E0]  }
0x14: {  	v3 =	vld [tilespmem:$0x1D0]  }
0x15: {  	v4 =	vld [tilespmem:$0x1C0]  }
0x16: {  	vm0 =	vlt.u32 v0, $0x3E8;
	v0 =	vadd.s32 $0x1, v0;
	v5 =	vld [tilespmem:$0x1B0]  }
0x17: {  	v6 =	vld [tilespmem:$0x40];
	v0 =	vnsel vm0, $0x0, v0;
	vm0 =	vlt.u32 v1, $0x3E8;
	v1 =	vadd.s32 $0x1, v1  }
0x18: {  	v7 =	vld [tilespmem:$0x80];
	v1 =	vnsel vm0, $0x0, v1;
	vm0 =	vlt.u32 v2, $0x3E8;
	v2 =	vadd.s32 $0x1, v2  }
0x19: {  	v8 =	vld [tilespmem:$0x50];
	[tilespmem:$0x170] =	vst v1;
	vm1 =	vlt.u32 v3, $0x3E8;
	v1 =	vadd.s32 $0x1, v3;
	v2 =	vnsel vm0, $0x0, v2  }
0x1a: {  	v3 =	vld [tilespmem:$0x30];
	vm0 =	vlt.u32 v4, $0x3E8;
	v4 =	vadd.s32 $0x1, v4;
	v1 =	vnsel vm1, $0x0, v1;
	[tilespmem:$0x1E0] =	vst v2  }
0x1b: {  	v2 =	vld [tilespmem:$0x70];
	vm1 =	vlt.u32 v5, $0x3E8;
	v5 =	vadd.s32 $0x1, v5;
	v4 =	vnsel vm0, $0x0, v4;
	[tilespmem:$0x1D0] =	vst v1  }
0x1c: {  	v1 =	vld [tilespmem:$0x20];
	vm0 =	vlt.u32 v6, $0x3E8;
	v6 =	vadd.s32 $0x1, v6;
	v5 =	vnsel vm1, $0x0, v5  }
0x1d: {  	v6 =	vnsel vm0, $0x0, v6;
	v9 =	vld [tilespmem:$0x60];
	vm0 =	vlt.u32 v7, $0x3E8;
	v7 =	vadd.s32 $0x1, v7;
	[tilespmem:$0x1C0] =	vst v4  }
0x1e: {  	v4 =	vld [tilespmem:$0x10];
	vm1 =	vlt.u32 v8, $0x3E8;
	v8 =	vadd.s32 $0x1, v8;
	v7 =	vnsel vm0, $0x0, v7  }
0x1f: {  	v10 =	vld [tilespmem:$0x0];
	vm0 =	vlt.u32 v3, $0x3E8;
	v3 =	vadd.s32 $0x1, v3;
	v8 =	vnsel vm1, $0x0, v8;
	[tilespmem:$0x80] =	vst v7  }
0x20: {  	v3 =	vnsel vm0, $0x0, v3;
	vm0 =	vlt.u32 v2, $0x3E8;
	v2 =	vadd.s32 $0x1, v2;
	v7 =	vld [tilespmem:$0xA0];
	[tilespmem:$0x1B0] =	vst v5  }
0x21: {  	vm1 =	vlt.u32 v1, $0x3E8;
	v1 =	vadd.s32 $0x1, v1;
	[tilespmem:$0x50] =	vst v8;
	v2 =	vnsel vm0, $0x0, v2;
	v5 =	vld [tilespmem:$0x90]  }
0x22: {  	v1 =	vnsel vm1, $0x0, v1;
	[tilespmem:$0x40] =	vst v6;
	vm0 =	vlt.u32 v9, $0x3E8;
	v6 =	vadd.s32 $0x1, v9;
	v8 =	vld [tilespmem:$0x1F0]  }
0x23: {  	vm1 =	vlt.u32 v4, $0x3E8;
	v4 =	vadd.s32 $0x1, v4;
	v6 =	vnsel vm0, $0x0, v6;
	v9 =	vld [tilespmem:$0xE0];
	[tilespmem:$0x160] =	vst v0  }
0x24: {  	vm0 =	vlt.u32 v10, $0x3E8;
	v0 =	vadd.s32 $0x1, v10;
	v4 =	vnsel vm1, $0x0, v4;
	[tilespmem:$0x60] =	vst v6;
	v6 =	vld [tilespmem:$0xB0]  }
0x25: {  	v0 =	vnsel vm0, $0x0, v0;
	[tilespmem:$0x70] =	vst v2;
	vm0 =	vlt.u32 v7, $0x3E8;
	v2 =	vadd.s32 $0x1, v7;
	v7 =	vld [tilespmem:$0xF0]  }
0x26: {  	[tilespmem:$0x10] =	vst v4;
	vm1 =	vlt.u32 v5, $0x3E8;
	v4 =	vadd.s32 $0x1, v5;
	v2 =	vnsel vm0, $0x0, v2;
	v5 =	vld [tilespmem:$0x110]  }
0x27: {  	v4 =	vnsel vm1, $0x0, v4;
	[tilespmem:$0xA0] =	vst v2;
	v2 =	vld [tilespmem:$0xD0];
	vm0 =	vlt.u32 v8, $0x3E8;
	v8 =	vadd.s32 $0x1, v8  }
0x28: {  	[tilespmem:$0x30] =	vst v3;
	vm1 =	vlt.u32 v9, $0x3E8;
	v3 =	vadd.s32 $0x1, v9;
	v9 =	vld [tilespmem:$0x150];
	v8 =	vnsel vm0, $0x0, v8  }
0x29: {  	vm0 =	vlt.u32 v6, $0x3E8;
	v6 =	vadd.s32 $0x1, v6;
	v3 =	vnsel vm1, $0x0, v3;
	v10 =	vld [tilespmem:$0x100];
	[tilespmem:$0x1F0] =	vst v8  }
0x2a: {  	[tilespmem:$0x90] =	vst v4;
	v4 =	vnsel vm0, $0x0, v6;
	vm0 =	vlt.u32 v7, $0x3E8;
	v6 =	vadd.s32 $0x1, v7;
	v7 =	vld [tilespmem:$0x140]  }
0x2b: {  	[tilespmem:$0xE0] =	vst v3;
	v3 =	vnsel vm0, $0x0, v6;
	v6 =	vld [tilespmem:$0x130]  }
0x2c: {  	[tilespmem:$0x20] =	vst v1;
	vm0 =	vlt.u32 v2, $0x3E8;
	v1 =	vadd.s32 $0x1, v2;
	v2 =	vadd.s32 $0x1, v5;
	v8 =	vld [tilespmem:$0x120]  }
0x2d: {  	v1 =	vnsel vm0, $0x0, v1;
	[tilespmem:$0xF0] =	vst v3;
	vm0 =	vlt.u32 v9, $0x3E8;
	v3 =	vadd.s32 $0x1, v9  }
0x2e: {  	[tilespmem:$0xD0] =	vst v1;
	vm1 =	vlt.u32 v10, $0x3E8;
	v1 =	vadd.s32 $0x1, v10;
	v3 =	vnsel vm0, $0x0, v3  }
0x2f: {  	v9 =	vld [tilespmem:$0xC0];
	v1 =	vnsel vm1, $0x0, v1;
	vm0 =	vlt.u32 v7, $0x3E8;
	v7 =	vadd.s32 $0x1, v7;
	[tilespmem:$0x150] =	vst v3  }
0x30: {  	[tilespmem:$0xB0] =	vst v4;
	vm1 =	vlt.u32 v6, $0x3E8;
	v3 =	vadd.s32 $0x1, v6;
	v4 =	vnsel vm0, $0x0, v7;
	v6 =	vld [tilespmem:$0x1A0]  }
0x31: {  	vm0 =	vlt.u32 v5, $0x3E8;
	v5 =	vadd.s32 $0x1, v8;
	v3 =	vnsel vm1, $0x0, v3;
	[tilespmem:$0x140] =	vst v4;
	v4 =	vld [tilespmem:$0x190]  }
0x32: {  	v2 =	vnsel vm0, $0x0, v2;
	vm0 =	vlt.u32 v8, $0x3E8;
	[tilespmem:$0x130] =	vst v3;
	v3 =	vld [tilespmem:$0x180]  }
0x33: {  	[tilespmem:$0x110] =	vst v2;
	v2 =	vnsel vm0, $0x0, v5  }
0x34: {  	[tilespmem:$0x0] =	vst v0;
	vm0 =	vlt.u32 v9, $0x3E8;
	v0 =	vadd.s32 $0x1, v9  }
0x35: {  	v0 =	vnsel vm0, $0x0, v0;
	[tilespmem:$0x120] =	vst v2;
	vm0 =	vlt.u32 v6, $0x3E8;
	v2 =	vadd.s32 $0x1, v6  }
0x36: {  	[tilespmem:$0xC0] =	vst v0;
	vm1 =	vlt.u32 v4, $0x3E8;
	v0 =	vadd.s32 $0x1, v4;
	v2 =	vnsel vm0, $0x0, v2  }
0x37: {  	vm0 =	vlt.u32 v3, $0x3E8;
	v3 =	vadd.s32 $0x1, v3;
	v0 =	vnsel vm1, $0x0, v0;
	[tilespmem:$0x1A0] =	vst v2  }
0x38: {  	v2 =	vnsel vm0, $0x0, v3;
	[tilespmem:$0x190] =	vst v0  }
0x39: {  	[tilespmem:$0x180] =	vst v2  }
0x3a: {  	[tilespmem:$0x100] =	vst v1  }
0x3b: {  	[tilespmem:s6], [sflag:$0x1] =	stream.indirect.gather [hbm4b:s3+s8], $0x80, s2, s8, $0xb8;
	[tilespmem:$0x10200] =	vst v63  }
0x3c: {  	_ = 	snop  }
0x3d: {  	[tilespmem:s9], [sflag:$0x1] =	stream.indirect.gather [hbm4b:s3+s8], $0x80, s8, s8, $0xb8;
	[tilespmem:$0x10200] =	vst v63  }
0x3e: {  	_ = 	snop  }
0x3f: {  	[tilespmem:s11], [sflag:$0x1] =	stream.indirect.gather [hbm4b:s3+s8], $0x80, s10, s8, $0xb8;
	[tilespmem:$0x10200] =	vst v63  }
0x40: {  	_ = 	snop  }
0x41: {  	[tilespmem:s13], [sflag:$0x1] =	stream.indirect.gather [hbm4b:s3+s8], $0x80, s12, s8, $0xb8;
	[tilespmem:$0x10200] =	vst v63  }
0x42: {  	_ =	swait.ge [sflag:s7], $0x4000  }
0x43: {  	[sflag:s7] =	ssyncset.done $0x0  }
0x44: {  	[sflag:s7] =	ssyncadd.s32 $0xFFFFC000  }
0x45: {  	_ =	swait.ge [sflag:s7], $0x4000  }
0x46: {  	[sflag:s7] =	ssyncset.done $0x0  }
0x47: {  	[sflag:s7] =	ssyncadd.s32 $0xFFFFC000  }
0x48: {  	_ =	swait.ge [sflag:s7], $0x4000  }
0x49: {  	[sflag:s7] =	ssyncset.done $0x0  }
0x4a: {  	[sflag:s7] =	ssyncadd.s32 $0xFFFFC000  }
0x4b: {  	_ =	swait.ge [sflag:s7], $0x4000  }
0x4c: {  	[sflag:s7] =	ssyncset.done $0x0  }
0x4d: {  	[sflag:s7] =	ssyncadd.s32 $0xFFFFC000  }
0x4e: {  	[hbm4b:s5+s2] =	stream.linear.scatter [tilespmem:s6], [sflag:$0x2], $0x10000, $0x38;
	[tilespmem:$0x10200] =	vst v63  }
0x4f: {  	_ =	swait.ge [sflag:s4], $0x10000  }
.Ltmp1:
0x50: {  	[sflag:s4] =	ssyncset.done $0x0;
	(pc) =	sbr.rel @p0 .LBB2_1-.Ltmp1, $4  }
0x51: {  	[sflag:s4] =	ssyncadd.s32 $0xFFFF0000  }
0x52: {  	[tilespmem:s2], [sflag:$0x2] =	stream.linear.gather [hbm4b:s14+s2], $0x200, $0x38;
	[tilespmem:$0x10200] =	vst v63  }
0x53: {  	_ =	swait.ge [sflag:s4], $0x200  }
0x54: {  	[sflag:s4] =	ssyncset.done $0x0  }
.LBB2_2:
0x55: {  	[sflag:s4] =	ssyncadd.s32 $0xFFFFFE00  }
0x56: {  	v0 =	vld [tilespmem:$0x170]  }
0x57: {  	v1 =	vld [tilespmem:$0x1E0]  }
0x58: {  	v2 =	vld [tilespmem:$0x1D0]  }
0x59: {  	v3 =	vld [tilespmem:$0x1C0]  }
0x5a: {  	v4 =	vld [tilespmem:$0x80]  }
0x5b: {  	v5 =	vld [tilespmem:$0x1B0];
	vm0 =	vlt.u32 v0, $0x3E8  }
0x5c: {  	v6 =	vld [tilespmem:$0x50];
	v0 =	vadd.s32 $0x1, v0;
	vm10 =	vlt.u32 v1, $0x3E8;
	v1 =	vadd.s32 $0x1, v1  }
0x5d: {  	v17 =	vld [tilespmem:$0x160];
	vm1 =	vlt.u32 v2, $0x3E8;
	v16 =	vadd.s32 $0x1, v2;
	v0 =	vnsel vm0, $0x0, v0  }
0x5e: {  	v21 =	vld [tilespmem:$0x70];
	vm11 =	vlt.u32 v3, $0x3E8;
	v3 =	vadd.s32 $0x1, v3;
	v1 =	vnsel vm10, $0x0, v1;
	[tilespmem:$0x170] =	vst v0  }
0x5f: {  	v24 =	vld [tilespmem:$0x10];
	vm12 =	vlt.u32 v4, $0x3E8;
	v20 =	vadd.s32 $0x1, v4;
	v18 =	vnsel vm11, $0x0, v3;
	[tilespmem:$0x1E0] =	vst v1  }
0x60: {  	vm13 =	vlt.u32 v5, $0x3E8;
	v5 =	vadd.s32 $0x1, v5;
	v22 =	vnsel vm12, $0x0, v20;
	[tilespmem:$0x1C0] =	vst v18  }
0x61: {  	v7 =	vld [tilespmem:$0x40];
	vm14 =	vlt.u32 v6, $0x3E8;
	v6 =	vadd.s32 $0x1, v6;
	v23 =	vnsel vm13, $0x0, v5;
	[tilespmem:$0x80] =	vst v22  }
0x62: {  	v26 =	vld [tilespmem:$0xA0];
	vm4 =	vlt.u32 v17, $0x3E8;
	v2 =	vadd.s32 $0x1, v17;
	v6 =	vnsel vm14, $0x0, v6;
	[tilespmem:$0x1B0] =	vst v23  }
0x63: {  	v27 =	vld [tilespmem:$0x30];
	vm6 =	vlt.u32 v21, $0x3E8;
	v4 =	vadd.s32 $0x1, v21;
	v2 =	vnsel vm4, $0x0, v2;
	[tilespmem:$0x50] =	vst v6  }
0x64: {  	v29 =	vld [tilespmem:$0x90];
	vm7 =	vlt.u32 v24, $0x3E8;
	v31 =	vadd.s32 $0x1, v24;
	v30 =	vnsel vm6, $0x0, v4;
	[tilespmem:$0x160] =	vst v2  }
0x65: {  	v32 =	vld [tilespmem:$0xE0];
	v4 =	vnsel vm7, $0x0, v31;
	[tilespmem:$0x70] =	vst v30  }
0x66: {  	v35 =	vld [tilespmem:$0xF0];
	vm15 =	vlt.u32 v7, $0x3E8;
	v25 =	vadd.s32 $0x1, v7;
	v0 =	vnsel vm1, $0x0, v16;
	[tilespmem:$0x10] =	vst v4  }
0x67: {  	v19 =	vld [tilespmem:$0x60];
	vm8 =	vlt.u32 v26, $0x3E8;
	v34 =	vadd.s32 $0x1, v26;
	v1 =	vnsel vm15, $0x0, v25;
	[tilespmem:$0x1D0] =	vst v0  }
0x68: {  	v28 =	vld [tilespmem:$0x1F0];
	vm9 =	vlt.u32 v27, $0x3E8;
	v3 =	vadd.s32 $0x1, v27;
	v2 =	vnsel vm8, $0x0, v34;
	[tilespmem:$0x40] =	vst v1  }
0x69: {  	v38 =	vld [tilespmem:$0x150];
	v37 =	vadd.s32 $0x1, v29;
	vm11 =	vlt.u32 v29, $0x3E8;
	v3 =	vnsel vm9, $0x0, v3;
	[tilespmem:$0xA0] =	vst v2  }
0x6a: {  	v41 =	vld [tilespmem:$0x140];
	vm12 =	vlt.u32 v32, $0x3E8;
	v5 =	vadd.s32 $0x1, v32;
	v4 =	vnsel vm11, $0x0, v37;
	[tilespmem:$0x30] =	vst v3  }
0x6b: {  	v44 =	vld [tilespmem:$0x110];
	v42 =	vadd.s32 $0x1, v35;
	vm14 =	vlt.u32 v35, $0x3E8;
	v40 =	vnsel vm12, $0x0, v5;
	[tilespmem:$0x90] =	vst v4  }
0x6c: {  	v46 =	vld [tilespmem:$0x0];
	vm5 =	vlt.u32 v19, $0x3E8;
	v5 =	vnsel vm14, $0x0, v42;
	v0 =	vadd.s32 $0x1, v19;
	[tilespmem:$0xE0] =	vst v40  }
0x6d: {  	v39 =	vld [tilespmem:$0xB0];
	vm10 =	vlt.u32 v28, $0x3E8;
	v1 =	vadd.s32 $0x1, v28;
	[tilespmem:$0xF0] =	vst v5;
	v0 =	vnsel vm5, $0x0, v0  }
0x6e: {  	v48 =	vld [tilespmem:$0x120];
	vm4 =	vlt.u32 v38, $0x3E8;
	v3 =	vadd.s32 $0x1, v38;
	v1 =	vnsel vm10, $0x0, v1;
	[tilespmem:$0x60] =	vst v0  }
0x6f: {  	v51 =	vld [tilespmem:$0xC0];
	vm6 =	vlt.u32 v41, $0x3E8;
	v4 =	vadd.s32 $0x1, v41;
	v49 =	vnsel vm4, $0x0, v3;
	[tilespmem:$0x1F0] =	vst v1  }
0x70: {  	v54 =	vld [tilespmem:$0x1A0];
	v55 =	vadd.s32 $0x1, v44;
	vm8 =	vlt.u32 v44, $0x3E8;
	v53 =	vnsel vm6, $0x0, v4;
	[tilespmem:$0x150] =	vst v49  }
0x71: {  	v33 =	vld [tilespmem:$0x20];
	vm9 =	vlt.u32 v46, $0x3E8;
	v2 =	vadd.s32 $0x1, v46;
	v4 =	vnsel vm8, $0x0, v55;
	[tilespmem:$0x140] =	vst v53  }
0x72: {  	v36 =	vld [tilespmem:$0xD0];
	v47 =	vadd.s32 $0x1, v39;
	vm5 =	vlt.u32 v39, $0x3E8;
	v2 =	vnsel vm9, $0x0, v2;
	[tilespmem:$0x110] =	vst v4  }
0x73: {  	v56 =	vld [tilespmem:$0x190];
	v8 =	vadd.s32 $0x1, v48;
	vm10 =	vlt.u32 v48, $0x3E8;
	v50 =	vnsel vm5, $0x0, v47;
	[tilespmem:$0x0] =	vst v2  }
0x74: {  	v43 =	vld [tilespmem:$0x130];
	v60 =	vadd.s32 $0x1, v51;
	vm11 =	vlt.u32 v51, $0x3E8;
	v59 =	vnsel vm10, $0x0, v8;
	[tilespmem:$0xB0] =	vst v50  }
0x75: {  	v58 =	vld [tilespmem:$0x100];
	vm12 =	vlt.u32 v54, $0x3E8;
	v3 =	vadd.s32 $0x1, v54;
	v2 =	vnsel vm11, $0x0, v60;
	[tilespmem:$0x120] =	vst v59  }
0x76: {  	v57 =	vld [tilespmem:$0x180];
	vm13 =	vlt.u32 v33, $0x3E8;
	v0 =	vadd.s32 $0x1, v33;
	v61 =	vnsel vm12, $0x0, v3;
	[tilespmem:$0xC0] =	vst v2  }
0x77: {  	v45 =	vadd.s32 $0x1, v36;
	vm15 =	vlt.u32 v36, $0x3E8;
	v0 =	vnsel vm13, $0x0, v0;
	[tilespmem:$0x1A0] =	vst v61  }
0x78: {  	v1 =	vadd.s32 $0x1, v56;
	vm13 =	vlt.u32 v56, $0x3E8;
	[tilespmem:$0x20] =	vst v0;
	v0 =	vnsel vm15, $0x0, v45  }
0x79: {  	v52 =	vadd.s32 $0x1, v43;
	vm7 =	vlt.u32 v43, $0x3E8;
	v1 =	vnsel vm13, $0x0, v1;
	[tilespmem:$0xD0] =	vst v0  }
0x7a: {  	v62 =	vadd.s32 $0x1, v58;
	vm15 =	vlt.u32 v58, $0x3E8;
	v0 =	vnsel vm7, $0x0, v52;
	[tilespmem:$0x190] =	vst v1  }
0x7b: {  	vm14 =	vlt.u32 v57, $0x3E8;
	v63 =	vnsel vm15, $0x0, v62;
	[tilespmem:$0x130] =	vst v0;
	v0 =	vadd.s32 $0x1, v57  }
0x7c: {  	[tilespmem:$0x100] =	vst v63;
	v0 =	vnsel vm14, $0x0, v0  }
0x7d: {  	[tilespmem:$0x180] =	vst v0  }
0x7e: {  	[tilespmem:s6], [sflag:$0x1] =	stream.indirect.gather [hbm4b:s3+s8], $0x80, s2, s8, $0xb8;
	[tilespmem:$0x10200] =	vst v63  }
0x7f: {  	_ = 	snop  }
0x80: {  	[tilespmem:s9], [sflag:$0x1] =	stream.indirect.gather [hbm4b:s3+s8], $0x80, s8, s8, $0xb8;
	[tilespmem:$0x10200] =	vst v63  }
0x81: {  	_ = 	snop  }
0x82: {  	[tilespmem:s11], [sflag:$0x1] =	stream.indirect.gather [hbm4b:s3+s8], $0x80, s10, s8, $0xb8;
	[tilespmem:$0x10200] =	vst v63  }
0x83: {  	_ = 	snop  }
0x84: {  	[tilespmem:s13], [sflag:$0x1] =	stream.indirect.gather [hbm4b:s3+s8], $0x80, s12, s8, $0xb8;
	[tilespmem:$0x10200] =	vst v63  }
0x85: {  	_ =	swait.ge [sflag:s7], $0x4000  }
0x86: {  	[sflag:s7] =	ssyncset.done $0x0  }
0x87: {  	[sflag:s7] =	ssyncadd.s32 $0xFFFFC000  }
0x88: {  	_ =	swait.ge [sflag:s7], $0x4000  }
0x89: {  	[sflag:s7] =	ssyncset.done $0x0  }
0x8a: {  	[sflag:s7] =	ssyncadd.s32 $0xFFFFC000  }
0x8b: {  	_ =	swait.ge [sflag:s7], $0x4000  }
0x8c: {  	[sflag:s7] =	ssyncset.done $0x0  }
0x8d: {  	[sflag:s7] =	ssyncadd.s32 $0xFFFFC000  }
0x8e: {  	_ =	swait.ge [sflag:s7], $0x4000  }
0x8f: {  	[sflag:s7] =	ssyncset.done $0x0  }
0x90: {  	[sflag:s7] =	ssyncadd.s32 $0xFFFFC000  }
0x91: {  	[hbm4b:s5+s2] =	stream.linear.scatter [tilespmem:s6], [sflag:$0x2], $0x10000, $0x38;
	[tilespmem:$0x10200] =	vst v63  }
0x92: {  	_ =	swait.ge [sflag:s4], $0x10000  }
0x93: {  	[sflag:s4] =	ssyncset.done $0x0  }
0x94: {  	[sflag:s4] =	ssyncadd.s32 $0xFFFF0000  }
0x95: {  	_ =	sfence.sel $0x180000  }
0x96: {  	[bflag:$0x0] =	sbarrier.arrive $0xFFFF  }
0x97: {  	p0 =	sne.s32 s1, $0x0;
	_ =	strace $0x90000047  }
0x98: {  	s0 =	sadd.s32 @!p0 $0x100000, s0;
	[bflag:$0x2] =	sbarrier.arrive $0xFFFF  }
0x99: {  	[sflag:s0] =	ssyncadd.tile.s32 @!p0 $0x1;
	_ =	shalt  }
.Lfunc_end2:
_tile_overlayer_lowered:
.L_overlay_start_2:
0x9a: {  	(tag) =	ssettag $0x2  }
0x9b: {  	s0 =	rddreg [dreg:$0x0];
	s2 =	stileid.u32  }
0x9c: {  	s1 =	rddreg [dreg:$0x1];
	p0 =	sne.s32 s2, $0x0  }
0x9d: {  	s3 =	rddreg [dreg:$0x2];
	[bflag:$0x3] =	sbarrier.arrive $0xFFFF;
	s2 =	simm.s32 @!p0 $0x1C02  }
0x9e: {  	[timem:s3], [sflag:s2] =	dma.local @!p0 [hbm:s0], s1  }
0x9f: {  	s0 =	simm.s32 @!p0 $0x2  }
0xa0: {  	_ =	swait.ge @!p0 [sflag:s0], s1  }
0xa1: {  	s1 =	ssub.s32 @!p0 $0x0, s1;
	[sflag:s0] =	ssyncset.done @!p0 $0x0  }
0xa2: {  	[sflag:s0] =	ssyncadd.s32 @!p0 s1  }
0xa3: {  	[bflag:$0x3] =	sbarrier.arrive $0xFFFF  }
0xa4: {  	_ =	shalt  }

</sc_bundles>
